<compile_context>
chip_gen: v7x
topology: tpu7x:2x2x1
jax: 0.10.2.dev20260603
libtpu: 0.0.44.dev20260713+nightly
codegen_flags: <defaults>
</compile_context>

<pallas_src>
import functools

import jax
import jax.numpy as jnp
from jax import lax
from jax.experimental import pallas as pl
from jax.experimental.pallas import tpu as pltpu
from jax.experimental.pallas import tpu_sc as plsc

NUM_CORES = 2
NUM_SUBCORES = 16
NUM_WORKERS = NUM_CORES * NUM_SUBCORES
LANES = 16

BATCH = 16384
EMBED_K = 16
B_PER_W = BATCH // NUM_WORKERS
CHUNK = 128
CHUNKS = B_PER_W // CHUNK
GROUPS = B_PER_W // LANES


def _sc_body(uidx_hbm, iidx_hbm, w_hbm, h_hbm, out_hbm,
             uidx_v, iidx_v, u_v, v_v, o_v, sem_u, sem_v):
    wid = lax.axis_index("s") * NUM_CORES + lax.axis_index("c")
    row0 = wid * CHUNKS

    pltpu.sync_copy(uidx_hbm.at[pl.ds(row0, CHUNKS)], uidx_v)
    pltpu.sync_copy(iidx_hbm.at[pl.ds(row0, CHUNKS)], iidx_v)

    copies = []
    for i in range(CHUNKS):
        copies.append(pltpu.async_copy(
            w_hbm.at[uidx_v.at[i]], u_v.at[pl.ds(i * CHUNK, CHUNK)], sem_u))
        copies.append(pltpu.async_copy(
            h_hbm.at[iidx_v.at[i]], v_v.at[pl.ds(i * CHUNK, CHUNK)], sem_v))
    for cp in copies:
        cp.wait()

    lane = lax.iota(jnp.int32, LANES)

    def group_body(g, carry):
        rows = g * LANES + lane
        acc = jnp.zeros((LANES,), jnp.float32)
        for j in range(EMBED_K):
            cols = jnp.full((LANES,), j, jnp.int32)
            uu = plsc.load_gather(u_v, [rows, cols])
            vv = plsc.load_gather(v_v, [rows, cols])
            acc = acc + uu * vv
        plsc.store_scatter(o_v, [rows], acc)
        return carry

    lax.fori_loop(0, GROUPS, group_body, 0)

    pltpu.sync_copy(o_v, out_hbm.at[pl.ds(wid * B_PER_W, B_PER_W)])


@functools.partial(
    pl.kernel,
    out_type=jax.ShapeDtypeStruct((BATCH,), jnp.float32),
    mesh=plsc.VectorSubcoreMesh(core_axis_name="c", subcore_axis_name="s"),
    compiler_params=pltpu.CompilerParams(
        needs_layout_passes=False, use_tc_tiling_on_sc=False),
    scratch_types=[
        pltpu.VMEM((CHUNKS, CHUNK), jnp.int32),
        pltpu.VMEM((CHUNKS, CHUNK), jnp.int32),
        pltpu.VMEM((B_PER_W, EMBED_K), jnp.float32),
        pltpu.VMEM((B_PER_W, EMBED_K), jnp.float32),
        pltpu.VMEM((B_PER_W,), jnp.float32),
        pltpu.SemaphoreType.DMA,
        pltpu.SemaphoreType.DMA,
    ],
)
def _mf_dot_sc(uidx_hbm, iidx_hbm, w_hbm, h_hbm, out_hbm,
               uidx_v, iidx_v, u_v, v_v, o_v, sem_u, sem_v):
    _sc_body(uidx_hbm, iidx_hbm, w_hbm, h_hbm, out_hbm,
             uidx_v, iidx_v, u_v, v_v, o_v, sem_u, sem_v)


@jax.jit
def kernel(x, W, H):
    uidx = x[:, 0].reshape(BATCH // CHUNK, CHUNK).astype(jnp.int32)
    iidx = x[:, 1].reshape(BATCH // CHUNK, CHUNK).astype(jnp.int32)
    return _mf_dot_sc(uidx, iidx, W, H)

# --- scband reference (transcript-rebuilt; emitter-appended) ---
"""Pipeline reference for scband-mf-tdr-9637906612428 (READ-ONLY COPY).

The authoritative reference and input builder live on the scoring server;
editing this copy changes nothing except your own understanding.
"""

import jax, jax.numpy as jnp
import numpy as np

NUM_USERS = 100000
NUM_ITEMS = 1000000
EMBED_K = 16
BATCH = 16384

def setup_inputs(seed: int = 0) -> dict:
    key = jax.random.key(seed)
    k1, k2, k3 = jax.random.split(key, 3)
    # indices: x[:,0]=user idx, x[:,1]=item idx. randint in [0, 100000) keeps both in-range.
    x = jax.random.randint(k1, (BATCH, 2), 0, NUM_USERS, dtype=jnp.int64) if jax.config.jax_enable_x64 else jax.random.randint(k1, (BATCH, 2), 0, NUM_USERS, dtype=jnp.int32).astype(jnp.int32)
    # embedding tables (nn.Embedding default init ~ N(0,1))
    W = jax.random.normal(k2, (NUM_USERS, EMBED_K), dtype=jnp.float32)
    H = jax.random.normal(k3, (NUM_ITEMS, EMBED_K), dtype=jnp.float32)
    return {"x": x, "W": W, "H": H}

def reference(x, W, H):
    # MF_TDR.prediction_model (MF_BaseModel) forward: dot product of user/item embeddings
    user_idx = x[:, 0]
    item_idx = x[:, 1]
    U_emb = jnp.take(W, user_idx, axis=0)
    V_emb = jnp.take(H, item_idx, axis=0)
    out = jnp.sum(U_emb * V_emb, axis=1)
    return out

if __name__ == "__main__":
    import jax
    _d = setup_inputs()
    print(jax.jit(kernel)(*tuple(_d.values())))

</pallas_src>

<mosaic_0001>
#map = affine_map<(d0, d1) -> (0, 0)>
#map1 = affine_map<(d0, d1) -> (0)>
module attributes {stable_mosaic.version = 14 : i64} {
  func.func @_mf_dot_sc(%arg0: i32, %arg1: i32, %arg2: memref<128x128xi32, #tpu.memory_space<hbm>>, %arg3: memref<128x128xi32, #tpu.memory_space<hbm>>, %arg4: memref<100000x16xf32, #tpu.memory_space<hbm>>, %arg5: memref<1000000x16xf32, #tpu.memory_space<hbm>>, %arg6: memref<16384xf32, #tpu.memory_space<hbm>>, %arg7: memref<4x128xi32, #tpu.memory_space<vmem>>, %arg8: memref<4x128xi32, #tpu.memory_space<vmem>>, %arg9: memref<512x16xf32, #tpu.memory_space<vmem>>, %arg10: memref<512x16xf32, #tpu.memory_space<vmem>>, %arg11: memref<512xf32, #tpu.memory_space<vmem>>, %arg12: memref<!tpu.dma_semaphore, #tpu.memory_space<semaphore_mem>>, %arg13: memref<!tpu.dma_semaphore, #tpu.memory_space<semaphore_mem>>) attributes {dimension_semantics = [#tpu.dimension_semantics<core_parallel>, #tpu.dimension_semantics<subcore_parallel>], iteration_bounds = array<i64: 2, 16>, scalar_prefetch = 0 : i64, scratch_operands = 7 : i64, tpu.core_type = #tpu.core_type<sc_vector_subcore>, window_params = [{transform_indices = #map}, {transform_indices = #map}, {transform_indices = #map}, {transform_indices = #map}, {transform_indices = #map1}]} {
    %mul3A = arith.constant 2 : i32
    %mul3A_0 = arith.muli %arg1, %mul3A : i32
    %add3A = arith.addi %mul3A_0, %arg0 : i32
    %mul3A_1 = arith.constant 4 : i32
    %mul3A_2 = arith.muli %add3A, %mul3A_1 : i32
    "tpu.region"() ({
      %run_scoped3A = tpu.sem_alloc : memref<!tpu.dma_semaphore, #tpu.memory_space<semaphore_mem>>
      %dma_start3A_168 = arith.constant 0 : i32
      %dma_start3A_169 = tpu.memref_slice %arg2[%mul3A_2, %dma_start3A_168] : memref<128x128xi32, #tpu.memory_space<hbm>> -> memref<4x128xi32, #tpu.memory_space<hbm>>
      %dma_start3A_170 = arith.constant 0 : i32
      %dma_start3A_171 = tpu.memref_slice %arg2[%mul3A_2, %dma_start3A_170] : memref<128x128xi32, #tpu.memory_space<hbm>> -> memref<4x128xi32, #tpu.memory_space<hbm>>
      tpu.enqueue_dma source(%dma_start3A_171 : memref<4x128xi32, #tpu.memory_space<hbm>>) target(%arg7 : memref<4x128xi32, #tpu.memory_space<vmem>>) target_semaphore(%run_scoped3A : memref<!tpu.dma_semaphore, #tpu.memory_space<semaphore_mem>>)
      %dma_wait3A_172 = arith.constant 0 : i32
      %dma_wait3A_173 = tpu.memref_slice %arg2[%mul3A_2, %dma_wait3A_172] : memref<128x128xi32, #tpu.memory_space<hbm>> -> memref<4x128xi32, #tpu.memory_space<hbm>>
      %dma_wait3A_174 = arith.constant 0 : i32
      %dma_wait3A_175 = tpu.memref_slice %arg2[%mul3A_2, %dma_wait3A_174] : memref<128x128xi32, #tpu.memory_space<hbm>> -> memref<4x128xi32, #tpu.memory_space<hbm>>
      tpu.wait_dma2 semaphore(%run_scoped3A : memref<!tpu.dma_semaphore, #tpu.memory_space<semaphore_mem>>) src(%dma_wait3A_175 : memref<4x128xi32, #tpu.memory_space<hbm>>) dst(%arg7 : memref<4x128xi32, #tpu.memory_space<vmem>>)
      tpu.yield
    }) : () -> ()
    "tpu.region"() ({
      %run_scoped3A = tpu.sem_alloc : memref<!tpu.dma_semaphore, #tpu.memory_space<semaphore_mem>>
      %dma_start3A_168 = arith.constant 0 : i32
      %dma_start3A_169 = tpu.memref_slice %arg3[%mul3A_2, %dma_start3A_168] : memref<128x128xi32, #tpu.memory_space<hbm>> -> memref<4x128xi32, #tpu.memory_space<hbm>>
      %dma_start3A_170 = arith.constant 0 : i32
      %dma_start3A_171 = tpu.memref_slice %arg3[%mul3A_2, %dma_start3A_170] : memref<128x128xi32, #tpu.memory_space<hbm>> -> memref<4x128xi32, #tpu.memory_space<hbm>>
      tpu.enqueue_dma source(%dma_start3A_171 : memref<4x128xi32, #tpu.memory_space<hbm>>) target(%arg8 : memref<4x128xi32, #tpu.memory_space<vmem>>) target_semaphore(%run_scoped3A : memref<!tpu.dma_semaphore, #tpu.memory_space<semaphore_mem>>)
      %dma_wait3A_172 = arith.constant 0 : i32
      %dma_wait3A_173 = tpu.memref_slice %arg3[%mul3A_2, %dma_wait3A_172] : memref<128x128xi32, #tpu.memory_space<hbm>> -> memref<4x128xi32, #tpu.memory_space<hbm>>
      %dma_wait3A_174 = arith.constant 0 : i32
      %dma_wait3A_175 = tpu.memref_slice %arg3[%mul3A_2, %dma_wait3A_174] : memref<128x128xi32, #tpu.memory_space<hbm>> -> memref<4x128xi32, #tpu.memory_space<hbm>>
      tpu.wait_dma2 semaphore(%run_scoped3A : memref<!tpu.dma_semaphore, #tpu.memory_space<semaphore_mem>>) src(%dma_wait3A_175 : memref<4x128xi32, #tpu.memory_space<hbm>>) dst(%arg8 : memref<4x128xi32, #tpu.memory_space<vmem>>)
      tpu.yield
    }) : () -> ()
    %dma_start3A = arith.constant 0 : i32
    %dma_start3A_3 = arith.constant 0 : i32
    %dma_start3A_4 = arith.constant 0 : i32
    %dma_start3A_5 = tpu.memref_slice %arg9[%dma_start3A_3, %dma_start3A_4] : memref<512x16xf32, #tpu.memory_space<vmem>> -> memref<128x16xf32, #tpu.memory_space<vmem>>
    %dma_start3A_6 = arith.constant 0 : i32
    %dma_start3A_7 = tpu.memref_slice %arg7[%dma_start3A, %dma_start3A_6] : memref<4x128xi32, #tpu.memory_space<vmem>> -> memref<1x128xi32, #tpu.memory_space<vmem>>
    %dma_start3A_8 = tpu.memref_squeeze %dma_start3A_7 : memref<1x128xi32, #tpu.memory_space<vmem>> -> memref<128xi32, #tpu.memory_space<vmem>>
    %dma_start3A_9 = arith.constant 0 : i32
    %dma_start3A_10 = arith.constant 0 : i32
    %dma_start3A_11 = tpu.memref_slice %arg4[%dma_start3A_9, %dma_start3A_10] : memref<100000x16xf32, #tpu.memory_space<hbm>> -> memref<100000x16xf32, #tpu.memory_space<hbm>>
    tpu.enqueue_indirect_dma source(%dma_start3A_11 : memref<100000x16xf32, #tpu.memory_space<hbm>>) target(%dma_start3A_5 : memref<128x16xf32, #tpu.memory_space<vmem>>) offsets(%dma_start3A_8 : memref<128xi32, #tpu.memory_space<vmem>>) semaphore(%arg12 : memref<!tpu.dma_semaphore, #tpu.memory_space<semaphore_mem>>)
    %dma_start3A_12 = arith.constant 0 : i32
    %dma_start3A_13 = arith.constant 0 : i32
    %dma_start3A_14 = arith.constant 0 : i32
    %dma_start3A_15 = tpu.memref_slice %arg10[%dma_start3A_13, %dma_start3A_14] : memref<512x16xf32, #tpu.memory_space<vmem>> -> memref<128x16xf32, #tpu.memory_space<vmem>>
    %dma_start3A_16 = arith.constant 0 : i32
    %dma_start3A_17 = tpu.memref_slice %arg8[%dma_start3A_12, %dma_start3A_16] : memref<4x128xi32, #tpu.memory_space<vmem>> -> memref<1x128xi32, #tpu.memory_space<vmem>>
    %dma_start3A_18 = tpu.memref_squeeze %dma_start3A_17 : memref<1x128xi32, #tpu.memory_space<vmem>> -> memref<128xi32, #tpu.memory_space<vmem>>
    %dma_start3A_19 = arith.constant 0 : i32
    %dma_start3A_20 = arith.constant 0 : i32
    %dma_start3A_21 = tpu.memref_slice %arg5[%dma_start3A_19, %dma_start3A_20] : memref<1000000x16xf32, #tpu.memory_space<hbm>> -> memref<1000000x16xf32, #tpu.memory_space<hbm>>
    tpu.enqueue_indirect_dma source(%dma_start3A_21 : memref<1000000x16xf32, #tpu.memory_space<hbm>>) target(%dma_start3A_15 : memref<128x16xf32, #tpu.memory_space<vmem>>) offsets(%dma_start3A_18 : memref<128xi32, #tpu.memory_space<vmem>>) semaphore(%arg13 : memref<!tpu.dma_semaphore, #tpu.memory_space<semaphore_mem>>)
    %dma_start3A_22 = arith.constant 1 : i32
    %dma_start3A_23 = arith.constant 128 : i32
    %dma_start3A_24 = arith.constant 0 : i32
    %dma_start3A_25 = tpu.memref_slice %arg9[%dma_start3A_23, %dma_start3A_24] : memref<512x16xf32, #tpu.memory_space<vmem>> -> memref<128x16xf32, #tpu.memory_space<vmem>>
    %dma_start3A_26 = arith.constant 0 : i32
    %dma_start3A_27 = tpu.memref_slice %arg7[%dma_start3A_22, %dma_start3A_26] : memref<4x128xi32, #tpu.memory_space<vmem>> -> memref<1x128xi32, #tpu.memory_space<vmem>>
    %dma_start3A_28 = tpu.memref_squeeze %dma_start3A_27 : memref<1x128xi32, #tpu.memory_space<vmem>> -> memref<128xi32, #tpu.memory_space<vmem>>
    %dma_start3A_29 = arith.constant 0 : i32
    %dma_start3A_30 = arith.constant 0 : i32
    %dma_start3A_31 = tpu.memref_slice %arg4[%dma_start3A_29, %dma_start3A_30] : memref<100000x16xf32, #tpu.memory_space<hbm>> -> memref<100000x16xf32, #tpu.memory_space<hbm>>
    tpu.enqueue_indirect_dma source(%dma_start3A_31 : memref<100000x16xf32, #tpu.memory_space<hbm>>) target(%dma_start3A_25 : memref<128x16xf32, #tpu.memory_space<vmem>>) offsets(%dma_start3A_28 : memref<128xi32, #tpu.memory_space<vmem>>) semaphore(%arg12 : memref<!tpu.dma_semaphore, #tpu.memory_space<semaphore_mem>>)
    %dma_start3A_32 = arith.constant 1 : i32
    %dma_start3A_33 = arith.constant 128 : i32
    %dma_start3A_34 = arith.constant 0 : i32
    %dma_start3A_35 = tpu.memref_slice %arg10[%dma_start3A_33, %dma_start3A_34] : memref<512x16xf32, #tpu.memory_space<vmem>> -> memref<128x16xf32, #tpu.memory_space<vmem>>
    %dma_start3A_36 = arith.constant 0 : i32
    %dma_start3A_37 = tpu.memref_slice %arg8[%dma_start3A_32, %dma_start3A_36] : memref<4x128xi32, #tpu.memory_space<vmem>> -> memref<1x128xi32, #tpu.memory_space<vmem>>
    %dma_start3A_38 = tpu.memref_squeeze %dma_start3A_37 : memref<1x128xi32, #tpu.memory_space<vmem>> -> memref<128xi32, #tpu.memory_space<vmem>>
    %dma_start3A_39 = arith.constant 0 : i32
    %dma_start3A_40 = arith.constant 0 : i32
    %dma_start3A_41 = tpu.memref_slice %arg5[%dma_start3A_39, %dma_start3A_40] : memref<1000000x16xf32, #tpu.memory_space<hbm>> -> memref<1000000x16xf32, #tpu.memory_space<hbm>>
    tpu.enqueue_indirect_dma source(%dma_start3A_41 : memref<1000000x16xf32, #tpu.memory_space<hbm>>) target(%dma_start3A_35 : memref<128x16xf32, #tpu.memory_space<vmem>>) offsets(%dma_start3A_38 : memref<128xi32, #tpu.memory_space<vmem>>) semaphore(%arg13 : memref<!tpu.dma_semaphore, #tpu.memory_space<semaphore_mem>>)
    %dma_start3A_42 = arith.constant 2 : i32
    %dma_start3A_43 = arith.constant 256 : i32
    %dma_start3A_44 = arith.constant 0 : i32
    %dma_start3A_45 = tpu.memref_slice %arg9[%dma_start3A_43, %dma_start3A_44] : memref<512x16xf32, #tpu.memory_space<vmem>> -> memref<128x16xf32, #tpu.memory_space<vmem>>
    %dma_start3A_46 = arith.constant 0 : i32
    %dma_start3A_47 = tpu.memref_slice %arg7[%dma_start3A_42, %dma_start3A_46] : memref<4x128xi32, #tpu.memory_space<vmem>> -> memref<1x128xi32, #tpu.memory_space<vmem>>
    %dma_start3A_48 = tpu.memref_squeeze %dma_start3A_47 : memref<1x128xi32, #tpu.memory_space<vmem>> -> memref<128xi32, #tpu.memory_space<vmem>>
    %dma_start3A_49 = arith.constant 0 : i32
    %dma_start3A_50 = arith.constant 0 : i32
    %dma_start3A_51 = tpu.memref_slice %arg4[%dma_start3A_49, %dma_start3A_50] : memref<100000x16xf32, #tpu.memory_space<hbm>> -> memref<100000x16xf32, #tpu.memory_space<hbm>>
    tpu.enqueue_indirect_dma source(%dma_start3A_51 : memref<100000x16xf32, #tpu.memory_space<hbm>>) target(%dma_start3A_45 : memref<128x16xf32, #tpu.memory_space<vmem>>) offsets(%dma_start3A_48 : memref<128xi32, #tpu.memory_space<vmem>>) semaphore(%arg12 : memref<!tpu.dma_semaphore, #tpu.memory_space<semaphore_mem>>)
    %dma_start3A_52 = arith.constant 2 : i32
    %dma_start3A_53 = arith.constant 256 : i32
    %dma_start3A_54 = arith.constant 0 : i32
    %dma_start3A_55 = tpu.memref_slice %arg10[%dma_start3A_53, %dma_start3A_54] : memref<512x16xf32, #tpu.memory_space<vmem>> -> memref<128x16xf32, #tpu.memory_space<vmem>>
    %dma_start3A_56 = arith.constant 0 : i32
    %dma_start3A_57 = tpu.memref_slice %arg8[%dma_start3A_52, %dma_start3A_56] : memref<4x128xi32, #tpu.memory_space<vmem>> -> memref<1x128xi32, #tpu.memory_space<vmem>>
    %dma_start3A_58 = tpu.memref_squeeze %dma_start3A_57 : memref<1x128xi32, #tpu.memory_space<vmem>> -> memref<128xi32, #tpu.memory_space<vmem>>
    %dma_start3A_59 = arith.constant 0 : i32
    %dma_start3A_60 = arith.constant 0 : i32
    %dma_start3A_61 = tpu.memref_slice %arg5[%dma_start3A_59, %dma_start3A_60] : memref<1000000x16xf32, #tpu.memory_space<hbm>> -> memref<1000000x16xf32, #tpu.memory_space<hbm>>
    tpu.enqueue_indirect_dma source(%dma_start3A_61 : memref<1000000x16xf32, #tpu.memory_space<hbm>>) target(%dma_start3A_55 : memref<128x16xf32, #tpu.memory_space<vmem>>) offsets(%dma_start3A_58 : memref<128xi32, #tpu.memory_space<vmem>>) semaphore(%arg13 : memref<!tpu.dma_semaphore, #tpu.memory_space<semaphore_mem>>)
    %dma_start3A_62 = arith.constant 3 : i32
    %dma_start3A_63 = arith.constant 384 : i32
    %dma_start3A_64 = arith.constant 0 : i32
    %dma_start3A_65 = tpu.memref_slice %arg9[%dma_start3A_63, %dma_start3A_64] : memref<512x16xf32, #tpu.memory_space<vmem>> -> memref<128x16xf32, #tpu.memory_space<vmem>>
    %dma_start3A_66 = arith.constant 0 : i32
    %dma_start3A_67 = tpu.memref_slice %arg7[%dma_start3A_62, %dma_start3A_66] : memref<4x128xi32, #tpu.memory_space<vmem>> -> memref<1x128xi32, #tpu.memory_space<vmem>>
    %dma_start3A_68 = tpu.memref_squeeze %dma_start3A_67 : memref<1x128xi32, #tpu.memory_space<vmem>> -> memref<128xi32, #tpu.memory_space<vmem>>
    %dma_start3A_69 = arith.constant 0 : i32
    %dma_start3A_70 = arith.constant 0 : i32
    %dma_start3A_71 = tpu.memref_slice %arg4[%dma_start3A_69, %dma_start3A_70] : memref<100000x16xf32, #tpu.memory_space<hbm>> -> memref<100000x16xf32, #tpu.memory_space<hbm>>
    tpu.enqueue_indirect_dma source(%dma_start3A_71 : memref<100000x16xf32, #tpu.memory_space<hbm>>) target(%dma_start3A_65 : memref<128x16xf32, #tpu.memory_space<vmem>>) offsets(%dma_start3A_68 : memref<128xi32, #tpu.memory_space<vmem>>) semaphore(%arg12 : memref<!tpu.dma_semaphore, #tpu.memory_space<semaphore_mem>>)
    %dma_start3A_72 = arith.constant 3 : i32
    %dma_start3A_73 = arith.constant 384 : i32
    %dma_start3A_74 = arith.constant 0 : i32
    %dma_start3A_75 = tpu.memref_slice %arg10[%dma_start3A_73, %dma_start3A_74] : memref<512x16xf32, #tpu.memory_space<vmem>> -> memref<128x16xf32, #tpu.memory_space<vmem>>
    %dma_start3A_76 = arith.constant 0 : i32
    %dma_start3A_77 = tpu.memref_slice %arg8[%dma_start3A_72, %dma_start3A_76] : memref<4x128xi32, #tpu.memory_space<vmem>> -> memref<1x128xi32, #tpu.memory_space<vmem>>
    %dma_start3A_78 = tpu.memref_squeeze %dma_start3A_77 : memref<1x128xi32, #tpu.memory_space<vmem>> -> memref<128xi32, #tpu.memory_space<vmem>>
    %dma_start3A_79 = arith.constant 0 : i32
    %dma_start3A_80 = arith.constant 0 : i32
    %dma_start3A_81 = tpu.memref_slice %arg5[%dma_start3A_79, %dma_start3A_80] : memref<1000000x16xf32, #tpu.memory_space<hbm>> -> memref<1000000x16xf32, #tpu.memory_space<hbm>>
    tpu.enqueue_indirect_dma source(%dma_start3A_81 : memref<1000000x16xf32, #tpu.memory_space<hbm>>) target(%dma_start3A_75 : memref<128x16xf32, #tpu.memory_space<vmem>>) offsets(%dma_start3A_78 : memref<128xi32, #tpu.memory_space<vmem>>) semaphore(%arg13 : memref<!tpu.dma_semaphore, #tpu.memory_space<semaphore_mem>>)
    %dma_wait3A = arith.constant 0 : i32
    %dma_wait3A_82 = arith.constant 0 : i32
    %dma_wait3A_83 = arith.constant 0 : i32
    %dma_wait3A_84 = tpu.memref_slice %arg9[%dma_wait3A_82, %dma_wait3A_83] : memref<512x16xf32, #tpu.memory_space<vmem>> -> memref<128x16xf32, #tpu.memory_space<vmem>>
    %dma_wait3A_85 = arith.constant 0 : i32
    %dma_wait3A_86 = tpu.memref_slice %arg7[%dma_wait3A, %dma_wait3A_85] : memref<4x128xi32, #tpu.memory_space<vmem>> -> memref<1x128xi32, #tpu.memory_space<vmem>>
    %dma_wait3A_87 = tpu.memref_squeeze %dma_wait3A_86 : memref<1x128xi32, #tpu.memory_space<vmem>> -> memref<128xi32, #tpu.memory_space<vmem>>
    %dma_wait3A_88 = arith.constant 0 : i32
    %dma_wait3A_89 = arith.constant 0 : i32
    %dma_wait3A_90 = tpu.memref_slice %arg4[%dma_wait3A_88, %dma_wait3A_89] : memref<100000x16xf32, #tpu.memory_space<hbm>> -> memref<100000x16xf32, #tpu.memory_space<hbm>>
    tpu.wait_indirect_dma semaphore(%arg12 : memref<!tpu.dma_semaphore, #tpu.memory_space<semaphore_mem>>) src(%dma_wait3A_90 : memref<100000x16xf32, #tpu.memory_space<hbm>>) dst(%dma_wait3A_84 : memref<128x16xf32, #tpu.memory_space<vmem>>)
    %dma_wait3A_91 = arith.constant 0 : i32
    %dma_wait3A_92 = arith.constant 0 : i32
    %dma_wait3A_93 = arith.constant 0 : i32
    %dma_wait3A_94 = tpu.memref_slice %arg10[%dma_wait3A_92, %dma_wait3A_93] : memref<512x16xf32, #tpu.memory_space<vmem>> -> memref<128x16xf32, #tpu.memory_space<vmem>>
    %dma_wait3A_95 = arith.constant 0 : i32
    %dma_wait3A_96 = tpu.memref_slice %arg8[%dma_wait3A_91, %dma_wait3A_95] : memref<4x128xi32, #tpu.memory_space<vmem>> -> memref<1x128xi32, #tpu.memory_space<vmem>>
    %dma_wait3A_97 = tpu.memref_squeeze %dma_wait3A_96 : memref<1x128xi32, #tpu.memory_space<vmem>> -> memref<128xi32, #tpu.memory_space<vmem>>
    %dma_wait3A_98 = arith.constant 0 : i32
    %dma_wait3A_99 = arith.constant 0 : i32
    %dma_wait3A_100 = tpu.memref_slice %arg5[%dma_wait3A_98, %dma_wait3A_99] : memref<1000000x16xf32, #tpu.memory_space<hbm>> -> memref<1000000x16xf32, #tpu.memory_space<hbm>>
    tpu.wait_indirect_dma semaphore(%arg13 : memref<!tpu.dma_semaphore, #tpu.memory_space<semaphore_mem>>) src(%dma_wait3A_100 : memref<1000000x16xf32, #tpu.memory_space<hbm>>) dst(%dma_wait3A_94 : memref<128x16xf32, #tpu.memory_space<vmem>>)
    %dma_wait3A_101 = arith.constant 1 : i32
    %dma_wait3A_102 = arith.constant 128 : i32
    %dma_wait3A_103 = arith.constant 0 : i32
    %dma_wait3A_104 = tpu.memref_slice %arg9[%dma_wait3A_102, %dma_wait3A_103] : memref<512x16xf32, #tpu.memory_space<vmem>> -> memref<128x16xf32, #tpu.memory_space<vmem>>
    %dma_wait3A_105 = arith.constant 0 : i32
    %dma_wait3A_106 = tpu.memref_slice %arg7[%dma_wait3A_101, %dma_wait3A_105] : memref<4x128xi32, #tpu.memory_space<vmem>> -> memref<1x128xi32, #tpu.memory_space<vmem>>
    %dma_wait3A_107 = tpu.memref_squeeze %dma_wait3A_106 : memref<1x128xi32, #tpu.memory_space<vmem>> -> memref<128xi32, #tpu.memory_space<vmem>>
    %dma_wait3A_108 = arith.constant 0 : i32
    %dma_wait3A_109 = arith.constant 0 : i32
    %dma_wait3A_110 = tpu.memref_slice %arg4[%dma_wait3A_108, %dma_wait3A_109] : memref<100000x16xf32, #tpu.memory_space<hbm>> -> memref<100000x16xf32, #tpu.memory_space<hbm>>
    tpu.wait_indirect_dma semaphore(%arg12 : memref<!tpu.dma_semaphore, #tpu.memory_space<semaphore_mem>>) src(%dma_wait3A_110 : memref<100000x16xf32, #tpu.memory_space<hbm>>) dst(%dma_wait3A_104 : memref<128x16xf32, #tpu.memory_space<vmem>>)
    %dma_wait3A_111 = arith.constant 1 : i32
    %dma_wait3A_112 = arith.constant 128 : i32
    %dma_wait3A_113 = arith.constant 0 : i32
    %dma_wait3A_114 = tpu.memref_slice %arg10[%dma_wait3A_112, %dma_wait3A_113] : memref<512x16xf32, #tpu.memory_space<vmem>> -> memref<128x16xf32, #tpu.memory_space<vmem>>
    %dma_wait3A_115 = arith.constant 0 : i32
    %dma_wait3A_116 = tpu.memref_slice %arg8[%dma_wait3A_111, %dma_wait3A_115] : memref<4x128xi32, #tpu.memory_space<vmem>> -> memref<1x128xi32, #tpu.memory_space<vmem>>
    %dma_wait3A_117 = tpu.memref_squeeze %dma_wait3A_116 : memref<1x128xi32, #tpu.memory_space<vmem>> -> memref<128xi32, #tpu.memory_space<vmem>>
    %dma_wait3A_118 = arith.constant 0 : i32
    %dma_wait3A_119 = arith.constant 0 : i32
    %dma_wait3A_120 = tpu.memref_slice %arg5[%dma_wait3A_118, %dma_wait3A_119] : memref<1000000x16xf32, #tpu.memory_space<hbm>> -> memref<1000000x16xf32, #tpu.memory_space<hbm>>
    tpu.wait_indirect_dma semaphore(%arg13 : memref<!tpu.dma_semaphore, #tpu.memory_space<semaphore_mem>>) src(%dma_wait3A_120 : memref<1000000x16xf32, #tpu.memory_space<hbm>>) dst(%dma_wait3A_114 : memref<128x16xf32, #tpu.memory_space<vmem>>)
    %dma_wait3A_121 = arith.constant 2 : i32
    %dma_wait3A_122 = arith.constant 256 : i32
    %dma_wait3A_123 = arith.constant 0 : i32
    %dma_wait3A_124 = tpu.memref_slice %arg9[%dma_wait3A_122, %dma_wait3A_123] : memref<512x16xf32, #tpu.memory_space<vmem>> -> memref<128x16xf32, #tpu.memory_space<vmem>>
    %dma_wait3A_125 = arith.constant 0 : i32
    %dma_wait3A_126 = tpu.memref_slice %arg7[%dma_wait3A_121, %dma_wait3A_125] : memref<4x128xi32, #tpu.memory_space<vmem>> -> memref<1x128xi32, #tpu.memory_space<vmem>>
    %dma_wait3A_127 = tpu.memref_squeeze %dma_wait3A_126 : memref<1x128xi32, #tpu.memory_space<vmem>> -> memref<128xi32, #tpu.memory_space<vmem>>
    %dma_wait3A_128 = arith.constant 0 : i32
    %dma_wait3A_129 = arith.constant 0 : i32
    %dma_wait3A_130 = tpu.memref_slice %arg4[%dma_wait3A_128, %dma_wait3A_129] : memref<100000x16xf32, #tpu.memory_space<hbm>> -> memref<100000x16xf32, #tpu.memory_space<hbm>>
    tpu.wait_indirect_dma semaphore(%arg12 : memref<!tpu.dma_semaphore, #tpu.memory_space<semaphore_mem>>) src(%dma_wait3A_130 : memref<100000x16xf32, #tpu.memory_space<hbm>>) dst(%dma_wait3A_124 : memref<128x16xf32, #tpu.memory_space<vmem>>)
    %dma_wait3A_131 = arith.constant 2 : i32
    %dma_wait3A_132 = arith.constant 256 : i32
    %dma_wait3A_133 = arith.constant 0 : i32
    %dma_wait3A_134 = tpu.memref_slice %arg10[%dma_wait3A_132, %dma_wait3A_133] : memref<512x16xf32, #tpu.memory_space<vmem>> -> memref<128x16xf32, #tpu.memory_space<vmem>>
    %dma_wait3A_135 = arith.constant 0 : i32
    %dma_wait3A_136 = tpu.memref_slice %arg8[%dma_wait3A_131, %dma_wait3A_135] : memref<4x128xi32, #tpu.memory_space<vmem>> -> memref<1x128xi32, #tpu.memory_space<vmem>>
    %dma_wait3A_137 = tpu.memref_squeeze %dma_wait3A_136 : memref<1x128xi32, #tpu.memory_space<vmem>> -> memref<128xi32, #tpu.memory_space<vmem>>
    %dma_wait3A_138 = arith.constant 0 : i32
    %dma_wait3A_139 = arith.constant 0 : i32
    %dma_wait3A_140 = tpu.memref_slice %arg5[%dma_wait3A_138, %dma_wait3A_139] : memref<1000000x16xf32, #tpu.memory_space<hbm>> -> memref<1000000x16xf32, #tpu.memory_space<hbm>>
    tpu.wait_indirect_dma semaphore(%arg13 : memref<!tpu.dma_semaphore, #tpu.memory_space<semaphore_mem>>) src(%dma_wait3A_140 : memref<1000000x16xf32, #tpu.memory_space<hbm>>) dst(%dma_wait3A_134 : memref<128x16xf32, #tpu.memory_space<vmem>>)
    %dma_wait3A_141 = arith.constant 3 : i32
    %dma_wait3A_142 = arith.constant 384 : i32
    %dma_wait3A_143 = arith.constant 0 : i32
    %dma_wait3A_144 = tpu.memref_slice %arg9[%dma_wait3A_142, %dma_wait3A_143] : memref<512x16xf32, #tpu.memory_space<vmem>> -> memref<128x16xf32, #tpu.memory_space<vmem>>
    %dma_wait3A_145 = arith.constant 0 : i32
    %dma_wait3A_146 = tpu.memref_slice %arg7[%dma_wait3A_141, %dma_wait3A_145] : memref<4x128xi32, #tpu.memory_space<vmem>> -> memref<1x128xi32, #tpu.memory_space<vmem>>
    %dma_wait3A_147 = tpu.memref_squeeze %dma_wait3A_146 : memref<1x128xi32, #tpu.memory_space<vmem>> -> memref<128xi32, #tpu.memory_space<vmem>>
    %dma_wait3A_148 = arith.constant 0 : i32
    %dma_wait3A_149 = arith.constant 0 : i32
    %dma_wait3A_150 = tpu.memref_slice %arg4[%dma_wait3A_148, %dma_wait3A_149] : memref<100000x16xf32, #tpu.memory_space<hbm>> -> memref<100000x16xf32, #tpu.memory_space<hbm>>
    tpu.wait_indirect_dma semaphore(%arg12 : memref<!tpu.dma_semaphore, #tpu.memory_space<semaphore_mem>>) src(%dma_wait3A_150 : memref<100000x16xf32, #tpu.memory_space<hbm>>) dst(%dma_wait3A_144 : memref<128x16xf32, #tpu.memory_space<vmem>>)
    %dma_wait3A_151 = arith.constant 3 : i32
    %dma_wait3A_152 = arith.constant 384 : i32
    %dma_wait3A_153 = arith.constant 0 : i32
    %dma_wait3A_154 = tpu.memref_slice %arg10[%dma_wait3A_152, %dma_wait3A_153] : memref<512x16xf32, #tpu.memory_space<vmem>> -> memref<128x16xf32, #tpu.memory_space<vmem>>
    %dma_wait3A_155 = arith.constant 0 : i32
    %dma_wait3A_156 = tpu.memref_slice %arg8[%dma_wait3A_151, %dma_wait3A_155] : memref<4x128xi32, #tpu.memory_space<vmem>> -> memref<1x128xi32, #tpu.memory_space<vmem>>
    %dma_wait3A_157 = tpu.memref_squeeze %dma_wait3A_156 : memref<1x128xi32, #tpu.memory_space<vmem>> -> memref<128xi32, #tpu.memory_space<vmem>>
    %dma_wait3A_158 = arith.constant 0 : i32
    %dma_wait3A_159 = arith.constant 0 : i32
    %dma_wait3A_160 = tpu.memref_slice %arg5[%dma_wait3A_158, %dma_wait3A_159] : memref<1000000x16xf32, #tpu.memory_space<hbm>> -> memref<1000000x16xf32, #tpu.memory_space<hbm>>
    tpu.wait_indirect_dma semaphore(%arg13 : memref<!tpu.dma_semaphore, #tpu.memory_space<semaphore_mem>>) src(%dma_wait3A_160 : memref<1000000x16xf32, #tpu.memory_space<hbm>>) dst(%dma_wait3A_154 : memref<128x16xf32, #tpu.memory_space<vmem>>)
    %iota3A = tpu.iota {dimensions = array<i32: 0>} : vector<16xi32>
    %scan3A = arith.constant 0 : i32
    %scan3A_161 = arith.constant 0 : i32
    %scan3A_162 = arith.constant 32 : i32
    %scan3A_163 = arith.addi %scan3A_161, %scan3A_162 : i32
    %scan3A_164 = arith.constant 1 : i32
    scf.for %scan3A_168 = %scan3A_161 to %scan3A_163 step %scan3A_164  : i32 {
      %mul3A_169 = arith.constant 16 : i32
      %mul3A_170 = arith.muli %scan3A_168, %mul3A_169 : i32
      %add3A_171 = vector.broadcast %mul3A_170 : i32 to vector<16xi32>
      %add3A_172 = arith.addi %add3A_171, %iota3A : vector<16xi32>
      %broadcast_in_dim3A = arith.constant 0.000000e+00 : f32
      %broadcast_in_dim3A_173 = vector.broadcast %broadcast_in_dim3A : f32 to vector<16xf32>
      %broadcast_in_dim3A_174 = arith.constant 0 : i32
      %broadcast_in_dim3A_175 = vector.broadcast %broadcast_in_dim3A_174 : i32 to vector<16xi32>
      %gather3A = tpu.vector_load_idx %arg9[%add3A_172, %broadcast_in_dim3A_175] : memref<512x16xf32, #tpu.memory_space<vmem>>[vector<16xi32>, vector<16xi32>], vector<16xf32>,
      %gather3A_176 = tpu.vector_load_idx %arg10[%add3A_172, %broadcast_in_dim3A_175] : memref<512x16xf32, #tpu.memory_space<vmem>>[vector<16xi32>, vector<16xi32>], vector<16xf32>,
      %mul3A_177 = arith.mulf %gather3A, %gather3A_176 : vector<16xf32>
      %add3A_178 = arith.addf %broadcast_in_dim3A_173, %mul3A_177 : vector<16xf32>
      %broadcast_in_dim3A_179 = arith.constant 1 : i32
      %broadcast_in_dim3A_180 = vector.broadcast %broadcast_in_dim3A_179 : i32 to vector<16xi32>
      %gather3A_181 = tpu.vector_load_idx %arg9[%add3A_172, %broadcast_in_dim3A_180] : memref<512x16xf32, #tpu.memory_space<vmem>>[vector<16xi32>, vector<16xi32>], vector<16xf32>,
      %gather3A_182 = tpu.vector_load_idx %arg10[%add3A_172, %broadcast_in_dim3A_180] : memref<512x16xf32, #tpu.memory_space<vmem>>[vector<16xi32>, vector<16xi32>], vector<16xf32>,
      %mul3A_183 = arith.mulf %gather3A_181, %gather3A_182 : vector<16xf32>
      %add3A_184 = arith.addf %add3A_178, %mul3A_183 : vector<16xf32>
      %broadcast_in_dim3A_185 = arith.constant 2 : i32
      %broadcast_in_dim3A_186 = vector.broadcast %broadcast_in_dim3A_185 : i32 to vector<16xi32>
      %gather3A_187 = tpu.vector_load_idx %arg9[%add3A_172, %broadcast_in_dim3A_186] : memref<512x16xf32, #tpu.memory_space<vmem>>[vector<16xi32>, vector<16xi32>], vector<16xf32>,
      %gather3A_188 = tpu.vector_load_idx %arg10[%add3A_172, %broadcast_in_dim3A_186] : memref<512x16xf32, #tpu.memory_space<vmem>>[vector<16xi32>, vector<16xi32>], vector<16xf32>,
      %mul3A_189 = arith.mulf %gather3A_187, %gather3A_188 : vector<16xf32>
      %add3A_190 = arith.addf %add3A_184, %mul3A_189 : vector<16xf32>
      %broadcast_in_dim3A_191 = arith.constant 3 : i32
      %broadcast_in_dim3A_192 = vector.broadcast %broadcast_in_dim3A_191 : i32 to vector<16xi32>
      %gather3A_193 = tpu.vector_load_idx %arg9[%add3A_172, %broadcast_in_dim3A_192] : memref<512x16xf32, #tpu.memory_space<vmem>>[vector<16xi32>, vector<16xi32>], vector<16xf32>,
      %gather3A_194 = tpu.vector_load_idx %arg10[%add3A_172, %broadcast_in_dim3A_192] : memref<512x16xf32, #tpu.memory_space<vmem>>[vector<16xi32>, vector<16xi32>], vector<16xf32>,
      %mul3A_195 = arith.mulf %gather3A_193, %gather3A_194 : vector<16xf32>
      %add3A_196 = arith.addf %add3A_190, %mul3A_195 : vector<16xf32>
      %broadcast_in_dim3A_197 = arith.constant 4 : i32
      %broadcast_in_dim3A_198 = vector.broadcast %broadcast_in_dim3A_197 : i32 to vector<16xi32>
      %gather3A_199 = tpu.vector_load_idx %arg9[%add3A_172, %broadcast_in_dim3A_198] : memref<512x16xf32, #tpu.memory_space<vmem>>[vector<16xi32>, vector<16xi32>], vector<16xf32>,
      %gather3A_200 = tpu.vector_load_idx %arg10[%add3A_172, %broadcast_in_dim3A_198] : memref<512x16xf32, #tpu.memory_space<vmem>>[vector<16xi32>, vector<16xi32>], vector<16xf32>,
      %mul3A_201 = arith.mulf %gather3A_199, %gather3A_200 : vector<16xf32>
      %add3A_202 = arith.addf %add3A_196, %mul3A_201 : vector<16xf32>
      %broadcast_in_dim3A_203 = arith.constant 5 : i32
      %broadcast_in_dim3A_204 = vector.broadcast %broadcast_in_dim3A_203 : i32 to vector<16xi32>
      %gather3A_205 = tpu.vector_load_idx %arg9[%add3A_172, %broadcast_in_dim3A_204] : memref<512x16xf32, #tpu.memory_space<vmem>>[vector<16xi32>, vector<16xi32>], vector<16xf32>,
      %gather3A_206 = tpu.vector_load_idx %arg10[%add3A_172, %broadcast_in_dim3A_204] : memref<512x16xf32, #tpu.memory_space<vmem>>[vector<16xi32>, vector<16xi32>], vector<16xf32>,
      %mul3A_207 = arith.mulf %gather3A_205, %gather3A_206 : vector<16xf32>
      %add3A_208 = arith.addf %add3A_202, %mul3A_207 : vector<16xf32>
      %broadcast_in_dim3A_209 = arith.constant 6 : i32
      %broadcast_in_dim3A_210 = vector.broadcast %broadcast_in_dim3A_209 : i32 to vector<16xi32>
      %gather3A_211 = tpu.vector_load_idx %arg9[%add3A_172, %broadcast_in_dim3A_210] : memref<512x16xf32, #tpu.memory_space<vmem>>[vector<16xi32>, vector<16xi32>], vector<16xf32>,
      %gather3A_212 = tpu.vector_load_idx %arg10[%add3A_172, %broadcast_in_dim3A_210] : memref<512x16xf32, #tpu.memory_space<vmem>>[vector<16xi32>, vector<16xi32>], vector<16xf32>,
      %mul3A_213 = arith.mulf %gather3A_211, %gather3A_212 : vector<16xf32>
      %add3A_214 = arith.addf %add3A_208, %mul3A_213 : vector<16xf32>
      %broadcast_in_dim3A_215 = arith.constant 7 : i32
      %broadcast_in_dim3A_216 = vector.broadcast %broadcast_in_dim3A_215 : i32 to vector<16xi32>
      %gather3A_217 = tpu.vector_load_idx %arg9[%add3A_172, %broadcast_in_dim3A_216] : memref<512x16xf32, #tpu.memory_space<vmem>>[vector<16xi32>, vector<16xi32>], vector<16xf32>,
      %gather3A_218 = tpu.vector_load_idx %arg10[%add3A_172, %broadcast_in_dim3A_216] : memref<512x16xf32, #tpu.memory_space<vmem>>[vector<16xi32>, vector<16xi32>], vector<16xf32>,
      %mul3A_219 = arith.mulf %gather3A_217, %gather3A_218 : vector<16xf32>
      %add3A_220 = arith.addf %add3A_214, %mul3A_219 : vector<16xf32>
      %broadcast_in_dim3A_221 = arith.constant 8 : i32
      %broadcast_in_dim3A_222 = vector.broadcast %broadcast_in_dim3A_221 : i32 to vector<16xi32>
      %gather3A_223 = tpu.vector_load_idx %arg9[%add3A_172, %broadcast_in_dim3A_222] : memref<512x16xf32, #tpu.memory_space<vmem>>[vector<16xi32>, vector<16xi32>], vector<16xf32>,
      %gather3A_224 = tpu.vector_load_idx %arg10[%add3A_172, %broadcast_in_dim3A_222] : memref<512x16xf32, #tpu.memory_space<vmem>>[vector<16xi32>, vector<16xi32>], vector<16xf32>,
      %mul3A_225 = arith.mulf %gather3A_223, %gather3A_224 : vector<16xf32>
      %add3A_226 = arith.addf %add3A_220, %mul3A_225 : vector<16xf32>
      %broadcast_in_dim3A_227 = arith.constant 9 : i32
      %broadcast_in_dim3A_228 = vector.broadcast %broadcast_in_dim3A_227 : i32 to vector<16xi32>
      %gather3A_229 = tpu.vector_load_idx %arg9[%add3A_172, %broadcast_in_dim3A_228] : memref<512x16xf32, #tpu.memory_space<vmem>>[vector<16xi32>, vector<16xi32>], vector<16xf32>,
      %gather3A_230 = tpu.vector_load_idx %arg10[%add3A_172, %broadcast_in_dim3A_228] : memref<512x16xf32, #tpu.memory_space<vmem>>[vector<16xi32>, vector<16xi32>], vector<16xf32>,
      %mul3A_231 = arith.mulf %gather3A_229, %gather3A_230 : vector<16xf32>
      %add3A_232 = arith.addf %add3A_226, %mul3A_231 : vector<16xf32>
      %broadcast_in_dim3A_233 = arith.constant 10 : i32
      %broadcast_in_dim3A_234 = vector.broadcast %broadcast_in_dim3A_233 : i32 to vector<16xi32>
      %gather3A_235 = tpu.vector_load_idx %arg9[%add3A_172, %broadcast_in_dim3A_234] : memref<512x16xf32, #tpu.memory_space<vmem>>[vector<16xi32>, vector<16xi32>], vector<16xf32>,
      %gather3A_236 = tpu.vector_load_idx %arg10[%add3A_172, %broadcast_in_dim3A_234] : memref<512x16xf32, #tpu.memory_space<vmem>>[vector<16xi32>, vector<16xi32>], vector<16xf32>,
      %mul3A_237 = arith.mulf %gather3A_235, %gather3A_236 : vector<16xf32>
      %add3A_238 = arith.addf %add3A_232, %mul3A_237 : vector<16xf32>
      %broadcast_in_dim3A_239 = arith.constant 11 : i32
      %broadcast_in_dim3A_240 = vector.broadcast %broadcast_in_dim3A_239 : i32 to vector<16xi32>
      %gather3A_241 = tpu.vector_load_idx %arg9[%add3A_172, %broadcast_in_dim3A_240] : memref<512x16xf32, #tpu.memory_space<vmem>>[vector<16xi32>, vector<16xi32>], vector<16xf32>,
      %gather3A_242 = tpu.vector_load_idx %arg10[%add3A_172, %broadcast_in_dim3A_240] : memref<512x16xf32, #tpu.memory_space<vmem>>[vector<16xi32>, vector<16xi32>], vector<16xf32>,
      %mul3A_243 = arith.mulf %gather3A_241, %gather3A_242 : vector<16xf32>
      %add3A_244 = arith.addf %add3A_238, %mul3A_243 : vector<16xf32>
      %broadcast_in_dim3A_245 = arith.constant 12 : i32
      %broadcast_in_dim3A_246 = vector.broadcast %broadcast_in_dim3A_245 : i32 to vector<16xi32>
      %gather3A_247 = tpu.vector_load_idx %arg9[%add3A_172, %broadcast_in_dim3A_246] : memref<512x16xf32, #tpu.memory_space<vmem>>[vector<16xi32>, vector<16xi32>], vector<16xf32>,
      %gather3A_248 = tpu.vector_load_idx %arg10[%add3A_172, %broadcast_in_dim3A_246] : memref<512x16xf32, #tpu.memory_space<vmem>>[vector<16xi32>, vector<16xi32>], vector<16xf32>,
      %mul3A_249 = arith.mulf %gather3A_247, %gather3A_248 : vector<16xf32>
      %add3A_250 = arith.addf %add3A_244, %mul3A_249 : vector<16xf32>
      %broadcast_in_dim3A_251 = arith.constant 13 : i32
      %broadcast_in_dim3A_252 = vector.broadcast %broadcast_in_dim3A_251 : i32 to vector<16xi32>
      %gather3A_253 = tpu.vector_load_idx %arg9[%add3A_172, %broadcast_in_dim3A_252] : memref<512x16xf32, #tpu.memory_space<vmem>>[vector<16xi32>, vector<16xi32>], vector<16xf32>,
      %gather3A_254 = tpu.vector_load_idx %arg10[%add3A_172, %broadcast_in_dim3A_252] : memref<512x16xf32, #tpu.memory_space<vmem>>[vector<16xi32>, vector<16xi32>], vector<16xf32>,
      %mul3A_255 = arith.mulf %gather3A_253, %gather3A_254 : vector<16xf32>
      %add3A_256 = arith.addf %add3A_250, %mul3A_255 : vector<16xf32>
      %broadcast_in_dim3A_257 = arith.constant 14 : i32
      %broadcast_in_dim3A_258 = vector.broadcast %broadcast_in_dim3A_257 : i32 to vector<16xi32>
      %gather3A_259 = tpu.vector_load_idx %arg9[%add3A_172, %broadcast_in_dim3A_258] : memref<512x16xf32, #tpu.memory_space<vmem>>[vector<16xi32>, vector<16xi32>], vector<16xf32>,
      %gather3A_260 = tpu.vector_load_idx %arg10[%add3A_172, %broadcast_in_dim3A_258] : memref<512x16xf32, #tpu.memory_space<vmem>>[vector<16xi32>, vector<16xi32>], vector<16xf32>,
      %mul3A_261 = arith.mulf %gather3A_259, %gather3A_260 : vector<16xf32>
      %add3A_262 = arith.addf %add3A_256, %mul3A_261 : vector<16xf32>
      %broadcast_in_dim3A_263 = arith.constant 15 : i32
      %broadcast_in_dim3A_264 = vector.broadcast %broadcast_in_dim3A_263 : i32 to vector<16xi32>
      %gather3A_265 = tpu.vector_load_idx %arg9[%add3A_172, %broadcast_in_dim3A_264] : memref<512x16xf32, #tpu.memory_space<vmem>>[vector<16xi32>, vector<16xi32>], vector<16xf32>,
      %gather3A_266 = tpu.vector_load_idx %arg10[%add3A_172, %broadcast_in_dim3A_264] : memref<512x16xf32, #tpu.memory_space<vmem>>[vector<16xi32>, vector<16xi32>], vector<16xf32>,
      %mul3A_267 = arith.mulf %gather3A_265, %gather3A_266 : vector<16xf32>
      %add3A_268 = arith.addf %add3A_262, %mul3A_267 : vector<16xf32>
      tpu.vector_store_idx %arg11[%add3A_172], %add3A_268 : memref<512xf32, #tpu.memory_space<vmem>>[vector<16xi32>], vector<16xf32>,
    }
    %scan3A_165 = arith.constant 32 : i32
    %mul3A_166 = arith.constant 512 : i32
    %mul3A_167 = arith.muli %add3A, %mul3A_166 : i32
    "tpu.region"() ({
      %run_scoped3A = tpu.sem_alloc : memref<!tpu.dma_semaphore, #tpu.memory_space<semaphore_mem>>
      %dma_start3A_168 = tpu.memref_slice %arg6[%mul3A_167] : memref<16384xf32, #tpu.memory_space<hbm>> -> memref<512xf32, #tpu.memory_space<hbm>>
      %dma_start3A_169 = tpu.memref_slice %arg6[%mul3A_167] : memref<16384xf32, #tpu.memory_space<hbm>> -> memref<512xf32, #tpu.memory_space<hbm>>
      tpu.enqueue_dma source(%arg11 : memref<512xf32, #tpu.memory_space<vmem>>) target(%dma_start3A_169 : memref<512xf32, #tpu.memory_space<hbm>>) target_semaphore(%run_scoped3A : memref<!tpu.dma_semaphore, #tpu.memory_space<semaphore_mem>>)
      %dma_wait3A_170 = tpu.memref_slice %arg6[%mul3A_167] : memref<16384xf32, #tpu.memory_space<hbm>> -> memref<512xf32, #tpu.memory_space<hbm>>
      %dma_wait3A_171 = tpu.memref_slice %arg6[%mul3A_167] : memref<16384xf32, #tpu.memory_space<hbm>> -> memref<512xf32, #tpu.memory_space<hbm>>
      tpu.wait_dma2 semaphore(%run_scoped3A : memref<!tpu.dma_semaphore, #tpu.memory_space<semaphore_mem>>) src(%arg11 : memref<512xf32, #tpu.memory_space<vmem>>) dst(%dma_wait3A_171 : memref<512xf32, #tpu.memory_space<hbm>>)
      tpu.yield
    }) : () -> ()
    return
  }
}

</mosaic_0001>

<sc_bundles>
// kernel: kernel.3.cloned.1.call-start
scs
__scs_entry_jumppad:
0x0: {  	(pc) =	sbr.rel $0x88, $3  }
0x1: {  	(tag) =	ssettag $0x0;
	lr =	simm.s32 $0x1  }
0x2: {  	[smem:$0x3F9E] =	sst lr;
	_ =	strace $0xD0000000  }
0x3: {  	_ = 	snop  }
0x4: {  	_ = 	snop  }
0x5: {  	_ = 	snop  }
0x6: {  	_ = 	snop  }
0x7: {  	_ = 	snop  }
__scs_overlays_trampoline_lowered:
0x8: {  	[smem:$0x3FAD] =	sst s0  }
0x9: {  	[smem:$0x3FAE] =	sst s1  }
0xa: {  	[smem:$0x3FAF] =	sst s2  }
0xb: {  	[smem:$0x3FB0] =	sst s3  }
0xc: {  	[smem:$0x3FB1] =	sst s4  }
0xd: {  	[smem:$0x3FB2] =	sst s5  }
0xe: {  	[smem:$0x3FB3] =	sst s6  }
0xf: {  	[smem:$0x3FB4] =	sst s7  }
0x10: {  	[smem:$0x3FB5] =	sst s8  }
0x11: {  	[smem:$0x3FB6] =	sst s9;
	s0 =	simm.s32 @!p0 $0x0  }
0x12: {  	s1 =	sld [smem:$0x3F9C];
	s0 =	simm.s32 @p0 $0x1  }
0x13: {  	[smem:$0x3FB7] =	sst s0;
	s0 =	simm.s32 @!p1 $0x0  }
0x14: {  	s2 =	sld [smem:$0x3F9B];
	s0 =	simm.s32 @p1 $0x1  }
0x15: {  	[smem:$0x3FB8] =	sst s0;
	s0 =	simm.s32 @!p2 $0x0  }
0x16: {  	s3 =	sld [smem:$0x3FDB];
	s0 =	simm.s32 @p2 $0x1  }
0x17: {  	s4 =	simm.s32 $0x1BF5;
	[smem:$0x3FBA] =	sst s0  }
0x18: {  	s0 =	sld [smem:$0x3F9D];
	_ =	swait.ge [sflag:s4], $0x0  }
0x19: {  	s7 =	sld [smem:$0x3F9E]  }
0x1a: {  	s8 =	sadd.s32 $0xFFFFE003, lr  }
0x1b: {  	s9 =	sadd.s32 $0xFFFFFEF7, lr;
	s5 =	simm.s32 $0xFFFFFFFF;
	p2 =	slt.u32 s8, $0xFFFFF086  }
0x1c: {  	p1 =	slt.u32 s9, $0xF7A;
	s5 =	simm.s32 @!p2 $0x0  }
0x1d: {  	s5 =	simm.s32 @p1 $0x1;
	p0 =	seq.s32 s7, s2  }
0x1e: {  	s7 =	smul.u32 @!p0 $0xF7A, s2;
	p2 =	seq.s32 @!p0 s5, $0x0  }
0x1f: {  	s9 =	smul.u32 $0xF7A, s1;
	s8 =	simm.s32 @!p0 $0x1BF5;
	p2 =	por !p2, p0  }
0x20: {  	[sflag:s8] =	ssyncset.s32 @!p0 $0xFFFFF086;
	s6 =	sadd.s32 @!p0 s3, s7;
	s7 =	simm.s32 @!p0 $0x108  }
0x21: {  	s3 =	sadd.s32 s3, s9;
	s6 =	sadd.s32 @!p0 $0x88, s6;
	s7 =	simm.s32 @p2 $0x1082  }
0x22: {  	[simem:s7], [sflag:s8] =	dma.local @!p0 [hbm:s6], $0xF7A  }
0x23: {  	s9 =	sor.u32 $0xD0000000, s2;
	s6 =	simm.s32 $0x108;
	_ =	swait.ge @!p0 [sflag:s8], $0x0  }
0x24: {  	s3 =	sadd.s32 $0x88, s3;
	s6 =	simm.s32 @!p1 $0x1082;
	[sflag:s4] =	ssyncset.s32 $0xFFFFF086  }
0x25: {  	[simem:s6], [sflag:s4] =	dma.local [hbm:s3], $0xF7A  }
0x26: {  	[smem:$0x3F9E] =	sst s1;
	(tag) =	ssettag s2;
	_ =	strace s9  }
0x27: {  	s1 =	sld [smem:$0x3FAE]  }
0x28: {  	s2 =	sld [smem:$0x3FAF]  }
0x29: {  	s4 =	sld [smem:$0x3FB1]  }
0x2a: {  	p0 =	seq.s32 s5, $0x0;
	s5 =	sld [smem:$0x3FB2]  }
0x2b: {  	s6 =	sld [smem:$0x3FB3]  }
0x2c: {  	s7 =	sld [smem:$0x3FB4]  }
0x2d: {  	s3 =	simm.s32 $0x108;
	s8 =	sld [smem:$0x3FB5]  }
0x2e: {  	s3 =	simm.s32 @!p0 $0x1082;
	s9 =	sld [smem:$0x3FB6]  }
0x2f: {  	lr =	sadd.s32 s0, s3;
	s0 =	sld [smem:$0x3FAD]  }
0x30: {  	s3 =	sld [smem:$0x3FB0]  }
0x31: {  	[smem:$0x3FB9] =	sst s10  }
0x32: {  	s10 =	sld [smem:$0x3FB7];
	_ =	sdelay $0x3  }
0x33: {  	p0 =	seq.s32 s10, $0x1;
	s10 =	sld [smem:$0x3FB9];
	_ =	sdelay $0x3  }
0x34: {  	[smem:$0x3FB9] =	sst s10  }
0x35: {  	s10 =	sld [smem:$0x3FB8];
	_ =	sdelay $0x3  }
0x36: {  	p1 =	seq.s32 s10, $0x1;
	s10 =	sld [smem:$0x3FB9];
	_ =	sdelay $0x3  }
0x37: {  	[smem:$0x3FB9] =	sst s10  }
0x38: {  	s10 =	sld [smem:$0x3FBA]  }
0x39: {  	_ = 	snop;
	(pc) =	sbr.ind lr, $3  }
0x3a: {  	_ = 	snop  }
0x3b: {  	_ = 	snop  }
0x3c: {  	p2 =	seq.s32 s10, $0x1;
	s10 =	sld [smem:$0x3FB9]  }
0x3d: {  	_ =	shalt  }
0x3e: {  	_ =	shalt  }
0x3f: {  	_ =	shalt  }
0x40: {  	_ =	shalt  }
0x41: {  	_ =	shalt  }
0x42: {  	_ =	shalt  }
0x43: {  	_ =	shalt  }
0x44: {  	_ =	shalt  }
0x45: {  	_ =	shalt  }
0x46: {  	_ =	shalt  }
0x47: {  	_ =	shalt  }
0x48: {  	_ =	shalt  }
0x49: {  	_ =	shalt  }
0x4a: {  	_ =	shalt  }
0x4b: {  	_ =	shalt  }
0x4c: {  	_ =	shalt  }
0x4d: {  	_ =	shalt  }
0x4e: {  	_ =	shalt  }
0x4f: {  	_ =	shalt  }
0x50: {  	_ =	shalt  }
0x51: {  	_ =	shalt  }
0x52: {  	_ =	shalt  }
0x53: {  	_ =	shalt  }
0x54: {  	_ =	shalt  }
0x55: {  	_ =	shalt  }
0x56: {  	_ =	shalt  }
0x57: {  	_ =	shalt  }
0x58: {  	_ =	shalt  }
0x59: {  	_ =	shalt  }
0x5a: {  	_ =	shalt  }
0x5b: {  	_ =	shalt  }
0x5c: {  	_ =	shalt  }
0x5d: {  	_ =	shalt  }
0x5e: {  	_ =	shalt  }
0x5f: {  	_ =	shalt  }
0x60: {  	_ =	shalt  }
0x61: {  	_ =	shalt  }
0x62: {  	_ =	shalt  }
0x63: {  	_ =	shalt  }
0x64: {  	_ =	shalt  }
0x65: {  	_ =	shalt  }
0x66: {  	_ =	shalt  }
0x67: {  	_ =	shalt  }
0x68: {  	_ =	shalt  }
0x69: {  	_ =	shalt  }
0x6a: {  	_ =	shalt  }
0x6b: {  	_ =	shalt  }
0x6c: {  	_ =	shalt  }
0x6d: {  	_ =	shalt  }
0x6e: {  	_ =	shalt  }
0x6f: {  	_ =	shalt  }
0x70: {  	_ =	shalt  }
0x71: {  	_ =	shalt  }
0x72: {  	_ =	shalt  }
0x73: {  	_ =	shalt  }
0x74: {  	_ =	shalt  }
0x75: {  	_ =	shalt  }
0x76: {  	_ =	shalt  }
0x77: {  	_ =	shalt  }
0x78: {  	_ =	shalt  }
0x79: {  	_ =	shalt  }
0x7a: {  	_ =	shalt  }
0x7b: {  	_ =	shalt  }
0x7c: {  	_ =	shalt  }
0x7d: {  	_ =	shalt  }
0x7e: {  	_ =	shalt  }
0x7f: {  	_ =	shalt  }
0x80: {  	_ =	shalt  }
0x81: {  	_ =	shalt  }
0x82: {  	_ =	shalt  }
0x83: {  	_ =	shalt  }
0x84: {  	_ =	shalt  }
0x85: {  	_ =	shalt  }
0x86: {  	_ =	shalt  }
0x87: {  	_ =	shalt  }
.Lfunc_end0:
.L_simem_size_0:
called_computation_lowered:
.L_overlay_start_0:
0x88: {  	s2 =	sld [smem:$0x3FD9]  }
0x89: {  	s3 =	sld [smem:$0x3FFE];
	_ =	sdelay $0x1  }
0x8a: {  	s1 =	srdreg.scid  }
0x8b: {  	s0 =	sand.u32 $0x1, s1  }
0x8c: {  	s17 =	sshll.u32 s0, $0xA;
	s2 =	sadd.s32 s3, s2  }
0x8d: {  	s2 =	sadd.s32 s2, s17  }
0x8e: {  	[smem:$0x3FC5] =	sst s2  }
0x8f: {  	_ = 	snop  }
0x90: {  	s2 =	sld [smem:$0x3FD0];
	(tm) =	ssettm $0x1  }
0x91: {  	s18 =	sld [smem:$0x3FFB];
	_ =	sdelay $0x3  }
0x92: {  	_ =	strace s18  }
0x93: {  	s3 =	sld [smem:$0x3FFC];
	_ =	sdelay $0x3  }
0x94: {  	_ =	strace s3  }
0x95: {  	s3 =	sld [smem:$0x3FFD];
	_ =	sdelay $0x3  }
0x96: {  	_ =	strace s3  }
0x97: {  	_ =	strace $0x8FFFFFFF  }
0x98: {  	s19 =	sld [smem:$0x3FDB];
	_ =	sdelay $0x1  }
0x99: {  	s4 =	simm.s32 $_scs_section_size  }
0x9a: {  	s5 =	simm.s32 $_size__tile_overlayer_lowered;
	s6 =	simm.s32 $_tile_overlayer_lowered  }
0x9b: {  	s22 =	simm.s32 $0x1BFF;
	s21 =	sshll.u32 s6, $0x1;
	s3 =	sadd.s32 s4, s19  }
0x9c: {  	s7 =	simm.s32 $0x0;
	s20 =	sshll.u32 s5, $0x1;
	s5 =	sadd.s32 s21, s3  }
0x9d: {  	[timem:s7], [sflag:s22] =	dma.local [hbm:s5], s20  }
0x9e: {  	_ =	swait.ge [sflag:s22], s20  }
0x9f: {  	s4 =	ssub.s32 $0x0, s20;
	[sflag:s22] =	ssyncset.done $0x0  }
0xa0: {  	[sflag:s22] =	ssyncadd.s32 s4;
	_ =	sdelay $0x1  }
0xa1: {  	s23 =	simm.s32 $0x1B8B  }
0xa2: {  	_ =	swait.ge [sflag:s23], $0x1  }
0xa3: {  	[sflag:s23] =	ssyncset.done $0x0  }
0xa4: {  	s25 =	simm.s32 $0x1B8E;
	s24 =	sld [smem:$0x3FFE];
	[sflag:s23] =	ssyncadd.s32 $0xFFFFFFFF  }
0xa5: {  	s26 =	simm.s32 $execute0_lowered;
	[smem:$0x3FD2] =	sst s25  }
0xa6: {  	s5 =	sshll.u32 s26, $0x1;
	_ =	strace $0x80000046;
	[dreg:$0x1] =	wrdreg $0xFFFFFFFF  }
0xa7: {  	s28 =	simm.s32 $_size_execute0_lowered;
	s3 =	sadd.s32 s3, s5;
	[dreg:$0x0] =	wrdreg $0x0  }
0xa8: {  	s5 =	sshll.u32 s28, $0x1;
	[dreg:$0x2] =	wrdreg s3  }
0xa9: {  	[dreg:$0x3] =	wrdreg s5  }
0xaa: {  	[dreg:$0x4] =	wrdreg $0xC0  }
0xab: {  	_ =	task [dreg:s7], $0x5FFFF  }
0xac: {  	[dreg:$0x1] =	wrdreg $0xFFFFFFFF  }
0xad: {  	[dreg:$0x0] =	wrdreg $0x60  }
0xae: {  	[dreg:$0x2] =	wrdreg s24  }
0xaf: {  	[dreg:$0x3] =	wrdreg s2  }
0xb0: {  	[dreg:$0x4] =	wrdreg $0x9  }
0xb1: {  	_ =	task.clear_ibuf [dreg:s7], $0x5FFFF;
	_ =	strace $0x90000046  }
0xb2: {  	s29 =	simm.s32 $0x9;
	_ =	strace $0x80000048  }
0xb3: {  	_ =	swait.ge [sflag:s29], $0x1  }
0xb4: {  	[sflag:s29] =	ssyncadd.s32 $0xFFFFFFFF  }
0xb5: {  	_ =	strace $0x90000048  }
0xb6: {  	_ =	sfence  }
0xb7: {  	s30 =	sld [smem:$0x0];
	_ =	sdelay $0x2  }
0xb8: {  	s31 =	sshll.u32 s1, $0xD;
	s1 =	sshrl.u32 s1, $0x2  }
0xb9: {  	s3 =	sand.u32 $0x4000, s31;
	s1 =	sadd.s32 s1, s30  }
0xba: {  	s0 =	sor.u32 s3, s0;
	s1 =	sshll.u32 s1, $0x11  }
0xbb: {  	s0 =	sor.u32 s1, s0  }
0xbc: {  	s0 =	sadd.s32 $0x8F2B, s0  }
0xbd: {  	[sflag:s0] =	ssyncadd.remote.s32 $0x1  }
0xbe: {  	_ =	sfence.sel $0xFFFF  }
0xbf: {  	[dreg:$0x0] =	wrdreg $0xFFFFFFFF;
	(pc) =	sbr.abs _section_cstart, $3  }
0xc0: {  	[dreg:$0x1] =	wrdreg $0xFFFFFFFF  }
0xc1: {  	_ =	task.clear_ibuf [dreg:s7], $0x2FFFF;
	_ =	strace $0x9FFFFFFF  }
0xc2: {  	(tm) =	ssettm $0x7FFFFFFF  }
0xc3: {  	_ =	shalt  }
tec
execute0_lowered:
.L_overlay_start_1:
0x0: {  	(tag) =	ssettag $0x1  }
0x1: {  	s4 =	rddreg [dreg:$0x0]  }
0x2: {  	s7 =	rddreg [dreg:$0x1];
	s2 =	srdreg.scid  }
0x3: {  	s0 =	rddreg [dreg:$0x2];
	s1 =	stileid.u32;
	s10 =	simm.s32 $0x200  }
0x4: {  	s11 =	simm.s32 $0x80;
	s12 =	simm.s32 $0x400;
	s13 =	simm.s32 $0x2400  }
0x5: {  	s14 =	simm.s32 $0xC00;
	s15 =	simm.s32 $0x280;
	s16 =	simm.s32 $0x2C00  }
0x6: {  	s17 =	simm.s32 $0x100;
	s18 =	simm.s32 $0x1400;
	s19 =	simm.s32 $0x300  }
0x7: {  	s20 =	simm.s32 $0x3400;
	s21 =	simm.s32 $0x180;
	s22 =	simm.s32 $0x1C00  }
0x8: {  	s23 =	simm.s32 $0x380;
	s24 =	simm.s32 $0x3C00;
	s25 =	simm.s32 $0x1  }
0x9: {  	s26 =	simm.s32 $0x2;
	s28 =	simm.s32 $0x4400;
	s29 =	simm.s32 $0x0  }
0xa: {  	s3 =	sand.u32 $0x1, s2;
	s2 =	simm.s32 $0x0;
	s5 =	sshll.u32 s1, $0x7  }
0xb: {  	s6 =	sshll.u32 s3, $0x6;
	[smem:$0x7FF] =	sst s2;
	s31 =	ssub.s32 $0x2, s3  }
0xc: {  	s3 =	sadd.s32 $0x188200, s4;
	s8 =	sor.u32 s6, s5;
	_ =	strace $0x80000047  }
0xd: {  	s9 =	sshrl.u32 s31, $0x1;
	s6 =	sadd.s32 s8, s4;
	s4 =	sadd.s32 $0xF43C00, s4  }
0xe: {  	v0 =	vlaneseq.u32;
	s9 =	ssub.s32 s31, s9;
	s7 =	sadd.s32 s7, s8;
	s5 =	sadd.s32 $0x1000, s6  }
0xf: {  	v1 =	vor.u32 $0xFFFFFFF8, v0;
	s6 =	sadd.s32 $0x800, s6;
	s8 =	smax.u32 s9, $0x1;
	s9 =	simm.s32 $0x3  }
.LBB2_1:
0x10: {  	[tilespmem:s2], [sflag:$0x3] =	stream.linear.gather [hbm4b:s5+s2], $0x200, $0x38;
	[tilespmem:$0x4600] =	vst v63  }
0x11: {  	_ =	swait.ge [sflag:s9], $0x200  }
0x12: {  	[sflag:s9] =	ssyncset.done $0x0  }
0x13: {  	[sflag:s9] =	ssyncadd.s32 $0xFFFFFE00  }
0x14: {  	[tilespmem:s10], [sflag:$0x3] =	stream.linear.gather [hbm4b:s6+s2], $0x200, $0x38;
	[tilespmem:$0x4600] =	vst v63  }
0x15: {  	_ =	swait.ge [sflag:s9], $0x200  }
0x16: {  	[sflag:s9] =	ssyncset.done $0x0  }
0x17: {  	[sflag:s9] =	ssyncadd.s32 $0xFFFFFE00  }
0x18: {  	[tilespmem:s12], [sflag:$0x1] =	stream.indirect.gather [hbm4b:s3+s11], $0x10, s2, s11, $0xb8;
	[tilespmem:$0x4600] =	vst v63  }
0x19: {  	_ = 	snop  }
0x1a: {  	[tilespmem:s13], [sflag:$0x2] =	stream.indirect.gather [hbm4b:s4+s11], $0x10, s10, s11, $0xb8;
	[tilespmem:$0x4600] =	vst v63  }
0x1b: {  	_ = 	snop  }
0x1c: {  	[tilespmem:s14], [sflag:$0x1] =	stream.indirect.gather [hbm4b:s3+s11], $0x10, s11, s11, $0xb8;
	[tilespmem:$0x4600] =	vst v63  }
0x1d: {  	_ = 	snop  }
0x1e: {  	[tilespmem:s16], [sflag:$0x2] =	stream.indirect.gather [hbm4b:s4+s11], $0x10, s15, s11, $0xb8;
	[tilespmem:$0x4600] =	vst v63  }
0x1f: {  	_ = 	snop  }
0x20: {  	[tilespmem:s18], [sflag:$0x1] =	stream.indirect.gather [hbm4b:s3+s11], $0x10, s17, s11, $0xb8;
	[tilespmem:$0x4600] =	vst v63  }
0x21: {  	_ = 	snop  }
0x22: {  	[tilespmem:s20], [sflag:$0x2] =	stream.indirect.gather [hbm4b:s4+s11], $0x10, s19, s11, $0xb8;
	[tilespmem:$0x4600] =	vst v63  }
0x23: {  	_ = 	snop  }
0x24: {  	[tilespmem:s22], [sflag:$0x1] =	stream.indirect.gather [hbm4b:s3+s11], $0x10, s21, s11, $0xb8;
	[tilespmem:$0x4600] =	vst v63  }
0x25: {  	_ = 	snop  }
0x26: {  	[tilespmem:s24], [sflag:$0x2] =	stream.indirect.gather [hbm4b:s4+s11], $0x10, s23, s11, $0xb8;
	[tilespmem:$0x4600] =	vst v63  }
0x27: {  	_ =	swait.ge [sflag:s25], $0x800  }
0x28: {  	[sflag:s25] =	ssyncset.done $0x0  }
0x29: {  	[sflag:s25] =	ssyncadd.s32 $0xFFFFF800  }
0x2a: {  	_ =	swait.ge [sflag:s26], $0x800  }
0x2b: {  	[sflag:s26] =	ssyncset.done $0x0  }
0x2c: {  	[sflag:s26] =	ssyncadd.s32 $0xFFFFF800  }
0x2d: {  	_ =	swait.ge [sflag:s25], $0x800  }
0x2e: {  	[sflag:s25] =	ssyncset.done $0x0  }
0x2f: {  	[sflag:s25] =	ssyncadd.s32 $0xFFFFF800  }
0x30: {  	_ =	swait.ge [sflag:s26], $0x800  }
0x31: {  	[sflag:s26] =	ssyncset.done $0x0  }
0x32: {  	[sflag:s26] =	ssyncadd.s32 $0xFFFFF800  }
0x33: {  	_ =	swait.ge [sflag:s25], $0x800  }
0x34: {  	[sflag:s25] =	ssyncset.done $0x0  }
0x35: {  	[sflag:s25] =	ssyncadd.s32 $0xFFFFF800  }
0x36: {  	_ =	swait.ge [sflag:s26], $0x800  }
0x37: {  	[sflag:s26] =	ssyncset.done $0x0  }
0x38: {  	[sflag:s26] =	ssyncadd.s32 $0xFFFFF800  }
0x39: {  	v3 =	vor.u32 s2, v0;
	_ =	swait.ge [sflag:s25], $0x800  }
0x3a: {  	v2 =	vshll.u32 v3, $0x4;
	[sflag:s25] =	ssyncset.done $0x0  }
0x3b: {  	[sflag:s25] =	ssyncadd.s32 $0xFFFFF800  }
0x3c: {  	v4 =	vor.u32 $0x1, v2;
	_ =	swait.ge [sflag:s26], $0x800  }
0x3d: {  	[sflag:s26] =	ssyncset.done $0x0  }
0x3e: {  	v5 =	vor.u32 $0x2, v2;
	[sflag:s26] =	ssyncadd.s32 $0xFFFFF800  }
0x3f: {  	v6 =	vld.idx.msk [tilespmem:v2+s13+$0x0], $0xffff  }
0x40: {  	v8 =	vor.u32 $0x3, v2;
	v7 =	vld.idx.msk [tilespmem:v2+s12+$0x0], $0xffff  }
0x41: {  	v9 =	vld.idx.msk [tilespmem:v4+s12+$0x0], $0xffff  }
0x42: {  	v10 =	vor.u32 $0x4, v2;
	v4 =	vld.idx.msk [tilespmem:v4+s13+$0x0], $0xffff  }
0x43: {  	v11 =	vld.idx.msk [tilespmem:v5+s12+$0x0], $0xffff  }
0x44: {  	v12 =	vor.u32 $0x5, v2;
	v5 =	vld.idx.msk [tilespmem:v5+s13+$0x0], $0xffff  }
0x45: {  	v13 =	vld.idx.msk [tilespmem:v8+s12+$0x0], $0xffff;
	v6 =	vmul.f32 v6, v7  }
0x46: {  	v7 =	vld.idx.msk [tilespmem:v8+s13+$0x0], $0xffff;
	v8 =	vor.u32 $0x6, v2  }
0x47: {  	v14 =	vld.idx.msk [tilespmem:v10+s12+$0x0], $0xffff;
	v4 =	vmul.f32 v4, v9;
	v6 =	vadd.f32 $0.0e+00, v6  }
0x48: {  	v46 =	vor.u32 $0x7, v2;
	v45 =	vld.idx.msk [tilespmem:v10+s13+$0x0], $0xffff  }
0x49: {  	v15 =	vld.idx.msk [tilespmem:v12+s12+$0x0], $0xffff;
	v5 =	vmul.f32 v5, v11;
	v4 =	vadd.f32 v4, v6  }
0x4a: {  	v47 =	vor.u32 $0x8, v2;
	v6 =	vld.idx.msk [tilespmem:v12+s13+$0x0], $0xffff  }
0x4b: {  	v48 =	vld.idx.msk [tilespmem:v8+s12+$0x0], $0xffff;
	v4 =	vadd.f32 v5, v4;
	v5 =	vmul.f32 v7, v13  }
0x4c: {  	v7 =	vld.idx.msk [tilespmem:v8+s13+$0x0], $0xffff;
	v8 =	vor.u32 $0x9, v2  }
0x4d: {  	v49 =	vld.idx.msk [tilespmem:v46+s12+$0x0], $0xffff;
	v4 =	vadd.f32 v5, v4;
	v5 =	vmul.f32 v45, v14  }
0x4e: {  	v51 =	vor.u32 $0xA, v2;
	v50 =	vld.idx.msk [tilespmem:v46+s13+$0x0], $0xffff  }
0x4f: {  	v52 =	vld.idx.msk [tilespmem:v47+s12+$0x0], $0xffff;
	v4 =	vadd.f32 v5, v4;
	v5 =	vmul.f32 v6, v15  }
0x50: {  	v53 =	vor.u32 $0xB, v2;
	v6 =	vld.idx.msk [tilespmem:v47+s13+$0x0], $0xffff  }
0x51: {  	v54 =	vld.idx.msk [tilespmem:v8+s12+$0x0], $0xffff;
	v4 =	vadd.f32 v5, v4;
	v5 =	vmul.f32 v7, v48  }
0x52: {  	v7 =	vld.idx.msk [tilespmem:v8+s13+$0x0], $0xffff;
	v8 =	vor.u32 $0xC, v2  }
0x53: {  	v55 =	vld.idx.msk [tilespmem:v51+s12+$0x0], $0xffff;
	v4 =	vadd.f32 v5, v4;
	v5 =	vmul.f32 v50, v49  }
0x54: {  	v57 =	vor.u32 $0xD, v2;
	v56 =	vld.idx.msk [tilespmem:v51+s13+$0x0], $0xffff  }
0x55: {  	v58 =	vld.idx.msk [tilespmem:v53+s12+$0x0], $0xffff;
	v4 =	vadd.f32 v5, v4;
	v5 =	vmul.f32 v6, v52  }
0x56: {  	v59 =	vor.u32 $0xE, v2;
	v6 =	vld.idx.msk [tilespmem:v53+s13+$0x0], $0xffff  }
0x57: {  	v60 =	vld.idx.msk [tilespmem:v8+s12+$0x0], $0xffff;
	v4 =	vadd.f32 v5, v4;
	v5 =	vmul.f32 v7, v54  }
0x58: {  	v2 =	vor.u32 $0xF, v2;
	v7 =	vld.idx.msk [tilespmem:v8+s13+$0x0], $0xffff  }
0x59: {  	v61 =	vld.idx.msk [tilespmem:v57+s13+$0x0], $0xffff;
	v4 =	vadd.f32 v5, v4;
	v5 =	vmul.f32 v56, v55  }
0x5a: {  	v8 =	vld.idx.msk [tilespmem:v57+s12+$0x0], $0xffff  }
0x5b: {  	v62 =	vld.idx.msk [tilespmem:v59+s12+$0x0], $0xffff;
	v4 =	vadd.f32 v5, v4;
	v5 =	vmul.f32 v6, v58  }
0x5c: {  	v6 =	vld.idx.msk [tilespmem:v59+s13+$0x0], $0xffff  }
0x5d: {  	v63 =	vld.idx.msk [tilespmem:v2+s12+$0x0], $0xffff;
	v4 =	vadd.f32 v5, v4;
	v5 =	vmul.f32 v7, v60  }
0x5e: {  	v7 =	vld.idx.msk [tilespmem:v2+s13+$0x0], $0xffff  }
0x5f: {  	v2 =	vadd.f32 v5, v4;
	v4 =	vmul.f32 v61, v8;
	_ =	sdelay $0x1  }
0x60: {  	s30 =	simm.s32 $0x10;
	v6 =	vmul.f32 v6, v62;
	v5 =	vadd.f32 v4, v2  }
0x61: {  	v2 =	vor.u32 s30, v0;
	v4 =	vand.u32 v1, v3  }
0x62: {  	s30 =	simm.s32 $0x20;
	v3 =	vshll.u32 v2, $0x4;
	v5 =	vadd.f32 v6, v5;
	v6 =	vmul.f32 v7, v63  }
.LBB2_2:
0x63: {  	p0 =	sne.s32 s30, $0x1F0  }
0x64: {  	v7 =	vor.u32 $0x1, v3;
	v5 =	vadd.f32 v6, v5;
	_ =	sdelay $0x1  }
0x65: {  	v6 =	vor.u32 $0x2, v3;
	[tilespmem:v4+s28+$0x0] =	vst.idx.msk $0xffff, v5  }
0x66: {  	v4 =	vld.idx.msk [tilespmem:v3+s13+$0x0], $0xffff  }
0x67: {  	v8 =	vor.u32 $0x3, v3;
	v5 =	vld.idx.msk [tilespmem:v3+s12+$0x0], $0xffff  }
0x68: {  	v9 =	vld.idx.msk [tilespmem:v7+s12+$0x0], $0xffff  }
0x69: {  	v10 =	vor.u32 $0x4, v3;
	v7 =	vld.idx.msk [tilespmem:v7+s13+$0x0], $0xffff  }
0x6a: {  	v11 =	vld.idx.msk [tilespmem:v6+s12+$0x0], $0xffff  }
0x6b: {  	v12 =	vor.u32 $0x5, v3;
	v6 =	vld.idx.msk [tilespmem:v6+s13+$0x0], $0xffff  }
0x6c: {  	v13 =	vld.idx.msk [tilespmem:v8+s12+$0x0], $0xffff  }
0x6d: {  	v4 =	vmul.f32 v4, v5;
	v5 =	vld.idx.msk [tilespmem:v8+s13+$0x0], $0xffff;
	v8 =	vor.u32 $0x6, v3  }
0x6e: {  	v14 =	vld.idx.msk [tilespmem:v10+s12+$0x0], $0xffff  }
0x6f: {  	v4 =	vadd.f32 $0.0e+00, v4;
	v7 =	vmul.f32 v7, v9;
	v9 =	vld.idx.msk [tilespmem:v10+s13+$0x0], $0xffff;
	v10 =	vor.u32 $0x7, v3  }
0x70: {  	v15 =	vld.idx.msk [tilespmem:v12+s12+$0x0], $0xffff  }
0x71: {  	v4 =	vadd.f32 v7, v4;
	v6 =	vmul.f32 v6, v11;
	v11 =	vor.u32 $0x8, v3;
	v7 =	vld.idx.msk [tilespmem:v12+s13+$0x0], $0xffff  }
0x72: {  	v12 =	vld.idx.msk [tilespmem:v8+s12+$0x0], $0xffff  }
0x73: {  	v4 =	vadd.f32 v6, v4;
	v5 =	vmul.f32 v5, v13;
	v6 =	vld.idx.msk [tilespmem:v8+s13+$0x0], $0xffff;
	v8 =	vor.u32 $0x9, v3  }
0x74: {  	v13 =	vld.idx.msk [tilespmem:v10+s12+$0x0], $0xffff  }
0x75: {  	v4 =	vadd.f32 v5, v4;
	v5 =	vmul.f32 v9, v14;
	v9 =	vld.idx.msk [tilespmem:v10+s13+$0x0], $0xffff;
	v10 =	vor.u32 $0xA, v3  }
0x76: {  	v14 =	vld.idx.msk [tilespmem:v11+s12+$0x0], $0xffff  }
0x77: {  	v4 =	vadd.f32 v5, v4;
	v5 =	vmul.f32 v7, v15;
	v7 =	vld.idx.msk [tilespmem:v11+s13+$0x0], $0xffff;
	v11 =	vor.u32 $0xB, v3  }
0x78: {  	v15 =	vld.idx.msk [tilespmem:v8+s12+$0x0], $0xffff  }
0x79: {  	v4 =	vadd.f32 v5, v4;
	v5 =	vmul.f32 v6, v12;
	v6 =	vld.idx.msk [tilespmem:v8+s13+$0x0], $0xffff;
	v8 =	vor.u32 $0xC, v3  }
0x7a: {  	v12 =	vld.idx.msk [tilespmem:v10+s12+$0x0], $0xffff  }
0x7b: {  	v4 =	vadd.f32 v5, v4;
	v5 =	vmul.f32 v9, v13;
	v9 =	vld.idx.msk [tilespmem:v10+s13+$0x0], $0xffff;
	v10 =	vor.u32 $0xD, v3  }
0x7c: {  	v13 =	vld.idx.msk [tilespmem:v11+s12+$0x0], $0xffff  }
0x7d: {  	v4 =	vadd.f32 v5, v4;
	v5 =	vmul.f32 v7, v14;
	v7 =	vld.idx.msk [tilespmem:v11+s13+$0x0], $0xffff;
	v11 =	vor.u32 $0xE, v3  }
0x7e: {  	v14 =	vld.idx.msk [tilespmem:v8+s12+$0x0], $0xffff  }
0x7f: {  	v3 =	vor.u32 $0xF, v3;
	v4 =	vadd.f32 v5, v4;
	v5 =	vmul.f32 v6, v15;
	v6 =	vld.idx.msk [tilespmem:v8+s13+$0x0], $0xffff  }
0x80: {  	v8 =	vld.idx.msk [tilespmem:v10+s12+$0x0], $0xffff  }
0x81: {  	v4 =	vadd.f32 v5, v4;
	v5 =	vmul.f32 v9, v12;
	v9 =	vld.idx.msk [tilespmem:v10+s13+$0x0], $0xffff  }
0x82: {  	v10 =	vld.idx.msk [tilespmem:v11+s12+$0x0], $0xffff  }
0x83: {  	v4 =	vadd.f32 v5, v4;
	v5 =	vmul.f32 v7, v13;
	v7 =	vld.idx.msk [tilespmem:v11+s13+$0x0], $0xffff  }
0x84: {  	v11 =	vld.idx.msk [tilespmem:v3+s12+$0x0], $0xffff  }
0x85: {  	v4 =	vadd.f32 v5, v4;
	v5 =	vmul.f32 v6, v14;
	v6 =	vld.idx.msk [tilespmem:v3+s13+$0x0], $0xffff;
	_ =	sdelay $0x1  }
.Ltmp0:
0x86: {  	v3 =	vadd.f32 v5, v4;
	v4 =	vmul.f32 v9, v8;
	(pc) =	sbr.rel @p0 .LBB2_2-.Ltmp0, $4  }
0x87: {  	_ = 	snop  }
0x88: {  	v5 =	vadd.f32 v4, v3;
	v7 =	vmul.f32 v7, v10  }
0x89: {  	v4 =	vand.u32 v1, v2;
	v2 =	vor.u32 s30, v0  }
0x8a: {  	s30 =	sadd.s32 $0x10, s30;
	v3 =	vshll.u32 v2, $0x4;
	v5 =	vadd.f32 v7, v5;
	v6 =	vmul.f32 v6, v11  }
0x8b: {  	_ =	sdelay $0x1  }
0x8c: {  	v7 =	vor.u32 $0x1, v3;
	v5 =	vadd.f32 v6, v5;
	_ =	sdelay $0x1  }
0x8d: {  	v21 =	vor.u32 $0x2, v3;
	[tilespmem:v4+s28+$0x0] =	vst.idx.msk $0xffff, v5  }
0x8e: {  	v4 =	vld.idx.msk [tilespmem:v3+s13+$0x0], $0xffff  }
0x8f: {  	v8 =	vor.u32 $0x3, v3;
	v5 =	vld.idx.msk [tilespmem:v3+s12+$0x0], $0xffff  }
0x90: {  	v9 =	vld.idx.msk [tilespmem:v7+s12+$0x0], $0xffff  }
0x91: {  	v10 =	vor.u32 $0x4, v3;
	v7 =	vld.idx.msk [tilespmem:v7+s13+$0x0], $0xffff  }
0x92: {  	v11 =	vld.idx.msk [tilespmem:v21+s12+$0x0], $0xffff  }
0x93: {  	v12 =	vor.u32 $0x5, v3;
	v6 =	vld.idx.msk [tilespmem:v21+s13+$0x0], $0xffff  }
0x94: {  	v13 =	vld.idx.msk [tilespmem:v8+s12+$0x0], $0xffff;
	v4 =	vmul.f32 v4, v5  }
0x95: {  	v23 =	vor.u32 $0x6, v3;
	v22 =	vld.idx.msk [tilespmem:v8+s13+$0x0], $0xffff  }
0x96: {  	v14 =	vld.idx.msk [tilespmem:v10+s12+$0x0], $0xffff;
	v7 =	vmul.f32 v7, v9;
	v4 =	vadd.f32 $0.0e+00, v4  }
0x97: {  	v25 =	vor.u32 $0x7, v3;
	v24 =	vld.idx.msk [tilespmem:v10+s13+$0x0], $0xffff  }
0x98: {  	v15 =	vld.idx.msk [tilespmem:v12+s12+$0x0], $0xffff;
	v6 =	vmul.f32 v6, v11;
	v4 =	vadd.f32 v7, v4  }
0x99: {  	v27 =	vor.u32 $0x8, v3;
	v26 =	vld.idx.msk [tilespmem:v12+s13+$0x0], $0xffff  }
0x9a: {  	v28 =	vld.idx.msk [tilespmem:v23+s12+$0x0], $0xffff;
	v5 =	vmul.f32 v22, v13;
	v4 =	vadd.f32 v6, v4  }
0x9b: {  	v30 =	vor.u32 $0x9, v3;
	v29 =	vld.idx.msk [tilespmem:v23+s13+$0x0], $0xffff  }
0x9c: {  	v31 =	vld.idx.msk [tilespmem:v25+s12+$0x0], $0xffff;
	v32 =	vmul.f32 v24, v14;
	v4 =	vadd.f32 v5, v4  }
0x9d: {  	v34 =	vor.u32 $0xA, v3;
	v33 =	vld.idx.msk [tilespmem:v25+s13+$0x0], $0xffff  }
0x9e: {  	v35 =	vld.idx.msk [tilespmem:v27+s12+$0x0], $0xffff;
	v36 =	vmul.f32 v26, v15;
	v4 =	vadd.f32 v32, v4  }
0x9f: {  	v38 =	vor.u32 $0xB, v3;
	v37 =	vld.idx.msk [tilespmem:v27+s13+$0x0], $0xffff  }
0xa0: {  	v39 =	vld.idx.msk [tilespmem:v30+s12+$0x0], $0xffff;
	v40 =	vmul.f32 v29, v28;
	v4 =	vadd.f32 v36, v4  }
0xa1: {  	v42 =	vor.u32 $0xC, v3;
	v41 =	vld.idx.msk [tilespmem:v30+s13+$0x0], $0xffff  }
0xa2: {  	v43 =	vld.idx.msk [tilespmem:v34+s12+$0x0], $0xffff;
	v44 =	vmul.f32 v33, v31;
	v4 =	vadd.f32 v40, v4  }
0xa3: {  	v46 =	vor.u32 $0xD, v3;
	v45 =	vld.idx.msk [tilespmem:v34+s13+$0x0], $0xffff  }
0xa4: {  	v47 =	vld.idx.msk [tilespmem:v38+s12+$0x0], $0xffff;
	v48 =	vmul.f32 v37, v35;
	v4 =	vadd.f32 v44, v4  }
0xa5: {  	v50 =	vor.u32 $0xE, v3;
	v49 =	vld.idx.msk [tilespmem:v38+s13+$0x0], $0xffff  }
0xa6: {  	v51 =	vld.idx.msk [tilespmem:v42+s12+$0x0], $0xffff;
	v52 =	vmul.f32 v41, v39;
	v4 =	vadd.f32 v48, v4  }
0xa7: {  	v3 =	vor.u32 $0xF, v3;
	v53 =	vld.idx.msk [tilespmem:v42+s13+$0x0], $0xffff  }
0xa8: {  	v54 =	vld.idx.msk [tilespmem:v46+s12+$0x0], $0xffff;
	v55 =	vmul.f32 v45, v43;
	v4 =	vadd.f32 v52, v4  }
0xa9: {  	v56 =	vld.idx.msk [tilespmem:v46+s13+$0x0], $0xffff  }
0xaa: {  	v57 =	vld.idx.msk [tilespmem:v50+s12+$0x0], $0xffff;
	v58 =	vmul.f32 v49, v47;
	v4 =	vadd.f32 v55, v4  }
0xab: {  	v59 =	vld.idx.msk [tilespmem:v50+s13+$0x0], $0xffff  }
0xac: {  	v60 =	vld.idx.msk [tilespmem:v3+s12+$0x0], $0xffff;
	v61 =	vmul.f32 v53, v51;
	v4 =	vadd.f32 v58, v4  }
0xad: {  	v3 =	vld.idx.msk [tilespmem:v3+s13+$0x0], $0xffff  }
0xae: {  	v62 =	vmul.f32 v56, v54;
	v4 =	vadd.f32 v61, v4;
	_ =	sdelay $0x1  }
0xaf: {  	v63 =	vmul.f32 v59, v57;
	v4 =	vadd.f32 v62, v4  }
0xb0: {  	v2 =	vand.u32 v1, v2  }
0xb1: {  	v3 =	vmul.f32 v3, v60;
	v4 =	vadd.f32 v63, v4;
	_ =	sdelay $0x1  }
0xb2: {  	s29 =	sadd.s32 $0x1, s29;
	v3 =	vadd.f32 v3, v4  }
0xb3: {  	p0 =	sne.s32 s29, s8  }
.Ltmp1:
0xb4: {  	[tilespmem:v2+s28+$0x0] =	vst.idx.msk $0xffff, v3;
	(pc) =	sbr.rel @p0 .LBB2_1-.Ltmp1, $4  }
0xb5: {  	[hbm4b:s7+s2] =	stream.linear.scatter [tilespmem:s28], [sflag:$0x3], $0x200, $0x38;
	[tilespmem:$0x4600] =	vst v63  }
0xb6: {  	_ =	swait.ge [sflag:s9], $0x200  }
0xb7: {  	[sflag:s9] =	ssyncset.done $0x0  }
0xb8: {  	[sflag:s9] =	ssyncadd.s32 $0xFFFFFE00  }
0xb9: {  	_ =	sfence.sel $0x180000  }
0xba: {  	[bflag:$0x0] =	sbarrier.arrive $0xFFFF  }
0xbb: {  	p0 =	sne.s32 s1, $0x0;
	_ =	strace $0x90000047  }
0xbc: {  	s0 =	sadd.s32 @!p0 $0x100000, s0;
	[bflag:$0x2] =	sbarrier.arrive $0xFFFF  }
0xbd: {  	[sflag:s0] =	ssyncadd.tile.s32 @!p0 $0x1;
	_ =	shalt  }
.Lfunc_end2:
_tile_overlayer_lowered:
.L_overlay_start_2:
0xbe: {  	(tag) =	ssettag $0x2  }
0xbf: {  	s0 =	rddreg [dreg:$0x0];
	s2 =	stileid.u32  }
0xc0: {  	s1 =	rddreg [dreg:$0x1];
	p0 =	sne.s32 s2, $0x0  }
0xc1: {  	s3 =	rddreg [dreg:$0x2];
	[bflag:$0x3] =	sbarrier.arrive $0xFFFF;
	s2 =	simm.s32 @!p0 $0x1C03  }
0xc2: {  	[timem:s3], [sflag:s2] =	dma.local @!p0 [hbm:s0], s1  }
0xc3: {  	s0 =	simm.s32 @!p0 $0x3  }
0xc4: {  	_ =	swait.ge @!p0 [sflag:s0], s1  }
0xc5: {  	s1 =	ssub.s32 @!p0 $0x0, s1;
	[sflag:s0] =	ssyncset.done @!p0 $0x0  }
0xc6: {  	[sflag:s0] =	ssyncadd.s32 @!p0 s1  }
0xc7: {  	[bflag:$0x3] =	sbarrier.arrive $0xFFFF  }
0xc8: {  	_ =	shalt  }

</sc_bundles>
